<compile_context>
chip_gen: v7x
topology: tpu7x:2x2x1
jax: 0.10.2.dev20260603
libtpu: 0.0.44.dev20260713+nightly
codegen_flags: <defaults>
</compile_context>

<pallas_src>
import jax
import jax.numpy as jnp
from jax import lax
from jax.experimental import pallas as pl
from jax.experimental.pallas import tpu as pltpu
from jax.experimental.pallas import tpu_sc as plsc

_MAX_WEIGHT_NORM = 0.01
_L = 16
_NT = 16


def _lane_total(t):
    idx = lax.iota(jnp.int32, _L)
    dnums = lax.GatherDimensionNumbers(
        offset_dims=(), collapsed_slice_dims=(0,), start_index_map=(0,))
    for sh in (8, 4, 2, 1):
        perm = lax.bitwise_xor(idx, jnp.int32(sh))
        peer = lax.gather(t, perm[:, None], dnums, (1,),
                          mode=lax.GatherScatterMode.PROMISE_IN_BOUNDS)
        t = t + peer
    return t


def _newton_rsqrt(a):
    i = lax.bitcast_convert_type(a, jnp.int32)
    i = jnp.int32(0x5F3759DF) - lax.shift_right_logical(i, 1)
    y = lax.bitcast_convert_type(i, jnp.float32)
    for _ in range(4):
        y = y * (1.5 - 0.5 * (a * y) * y)
    return y


def _make_sc_body(chunk, iters):
    def body(special_hbm, common_hbm, out_hbm, sp_v, cm_v, acc_v, part_v, shared, sem):
        sid = lax.axis_index("s")
        base = sid * chunk
        pltpu.sync_copy(special_hbm.at[pl.ds(base, chunk)], sp_v)
        cm_dma = pltpu.async_copy(common_hbm.at[pl.ds(base, chunk)], cm_v, sem)

        def ssq_step(i, acc):
            v = sp_v[pl.ds(i * _L, _L)]
            return acc + v * v

        acc = lax.fori_loop(0, iters, ssq_step, jnp.zeros((_L,), jnp.float32))
        acc_v[...] = acc
        pltpu.sync_copy(acc_v, shared.at[sid])
        plsc.subcore_barrier()
        pltpu.sync_copy(shared, part_v)
        tot = part_v[0, :]
        for r in range(1, _NT):
            tot = tot + part_v[r, :]
        ssq_v = _lane_total(tot)
        scale = jnp.minimum(jnp.float32(1.0), _MAX_WEIGHT_NORM * _newton_rsqrt(ssq_v))

        cm_dma.wait()

        def out_step(i, carry):
            sl = pl.ds(i * _L, _L)
            sp_v[sl] = scale * sp_v[sl] + cm_v[sl]
            return carry

        lax.fori_loop(0, iters, out_step, 0)
        pltpu.sync_copy(sp_v, out_hbm.at[pl.ds(base, chunk)])

    return body


def kernel(x, lens, common_latent, special_latent):
    del x, lens
    rows, cols = special_latent.shape
    n = rows * cols
    chunk = n // _NT
    sp = special_latent.reshape(n)
    cm = common_latent.reshape(n)
    mesh = plsc.VectorSubcoreMesh(core_axis_name="c", subcore_axis_name="s", num_cores=1)
    out = pl.kernel(
        _make_sc_body(chunk, chunk // _L),
        out_type=jax.ShapeDtypeStruct((n,), jnp.float32),
        mesh=mesh,
        scratch_types=[
            pltpu.VMEM((chunk,), jnp.float32),
            pltpu.VMEM((chunk,), jnp.float32),
            pltpu.VMEM((_L,), jnp.float32),
            pltpu.VMEM((_NT, _L), jnp.float32),
            pltpu.VMEM_SHARED((_NT, _L), jnp.float32),
            pltpu.SemaphoreType.DMA,
        ],
    )(sp, cm)
    return out.reshape(rows, cols)

# --- scband reference (transcript-rebuilt; emitter-appended) ---
"""Pipeline reference for scband-unique-noise-encoder-remove-len-31413390803258 (READ-ONLY COPY).

The authoritative reference and input builder live on the scoring server;
editing this copy changes nothing except your own understanding.
"""

import jax, jax.numpy as jnp
import numpy as np

MAX_LENGTH = 2048
NUM_CHANNEL = 100
MAX_WEIGHT_NORM = 0.01
BATCH = 16
SEQ_LEN = 2048


def setup_inputs(seed: int = 0) -> dict:
    key = jax.random.key(seed)
    k1, k2, k3, k4 = jax.random.split(key, 4)
    x = jax.random.normal(k1, (BATCH, SEQ_LEN, NUM_CHANNEL), dtype=jnp.float32)
    lens = jax.random.randint(k2, (BATCH,), 0, SEQ_LEN, dtype=jnp.int32)
    # common_latent init arg: torch shape [num_channel, T>=max_length], sliced and permuted
    # to [max_length, num_channel] inside __init__. We materialize post-permute form directly.
    common_latent = jax.random.normal(k3, (MAX_LENGTH, NUM_CHANNEL), dtype=jnp.float32)
    # special_latent is a learned Parameter (zeros at init); use small nonzero values so the
    # weight-norm clipping branch (norm > max_weight_norm) is exercised as in training.
    special_latent = jax.random.normal(k4, (MAX_LENGTH, NUM_CHANNEL), dtype=jnp.float32) * 0.001
    return {"x": x, "lens": lens, "common_latent": common_latent, "special_latent": special_latent}


def reference(x, lens, common_latent, special_latent):
    batch_size, seq_length, num_channel = x.shape
    # weight norm clipping of the learned special latent
    weight_norm = jnp.linalg.norm(special_latent)
    special = jnp.where(
        weight_norm > MAX_WEIGHT_NORM,
        MAX_WEIGHT_NORM * special_latent / weight_norm,
        special_latent,
    )
    current_noise = special + common_latent  # [max_length, num_channel]

    # Faithful emulation of the in-place ragged write:
    #   for b, L in enumerate(lens): x[b, L:] = current_noise[: seq_length - L]
    pos = jnp.arange(seq_length)[None, :]              # [1, S]
    mask = pos >= lens[:, None]                        # [B, S] positions that get overwritten
    idx = jnp.clip(pos - lens[:, None], 0, seq_length - 1)  # [B, S] source row in current_noise
    vals = jnp.take(current_noise[:seq_length], idx, axis=0)  # [B, S, C]
    x_updated = jnp.where(mask[:, :, None], vals, x)   # side-effect buffer (torch mutates x)
    del x_updated  # torch forward returns only current_noise
    return current_noise

if __name__ == "__main__":
    import jax
    _d = setup_inputs()
    print(jax.jit(kernel)(*tuple(_d.values())))

</pallas_src>

<mosaic_0001>
#map = affine_map<(d0, d1) -> (0)>
module attributes {stable_mosaic.version = 14 : i64} {
  func.func @body(%arg0: i32, %arg1: i32, %arg2: memref<204800xf32, #tpu.memory_space<hbm>>, %arg3: memref<204800xf32, #tpu.memory_space<hbm>>, %arg4: memref<204800xf32, #tpu.memory_space<hbm>>, %arg5: memref<12800xf32, #tpu.memory_space<vmem>>, %arg6: memref<12800xf32, #tpu.memory_space<vmem>>, %arg7: memref<16xf32, #tpu.memory_space<vmem>>, %arg8: memref<16x16xf32, #tpu.memory_space<vmem>>, %arg9: memref<16x16xf32, #tpu.memory_space<vmem_shared>>, %arg10: memref<!tpu.dma_semaphore, #tpu.memory_space<semaphore_mem>>) attributes {dimension_semantics = [#tpu.dimension_semantics<core_parallel>, #tpu.dimension_semantics<subcore_parallel>], iteration_bounds = array<i64: 1, 16>, scalar_prefetch = 0 : i64, scratch_operands = 6 : i64, tpu.core_type = #tpu.core_type<sc_vector_subcore>, window_params = [{transform_indices = #map}, {transform_indices = #map}, {transform_indices = #map}]} {
    %mul3A = arith.constant 12800 : i32
    %mul3A_0 = arith.muli %arg1, %mul3A : i32
    "tpu.region"() ({
      %run_scoped3A = tpu.sem_alloc : memref<!tpu.dma_semaphore, #tpu.memory_space<semaphore_mem>>
      %dma_start3A_183 = tpu.memref_slice %arg2[%mul3A_0] : memref<204800xf32, #tpu.memory_space<hbm>> -> memref<12800xf32, #tpu.memory_space<hbm>>
      %dma_start3A_184 = tpu.memref_slice %arg2[%mul3A_0] : memref<204800xf32, #tpu.memory_space<hbm>> -> memref<12800xf32, #tpu.memory_space<hbm>>
      tpu.enqueue_dma source(%dma_start3A_184 : memref<12800xf32, #tpu.memory_space<hbm>>) target(%arg5 : memref<12800xf32, #tpu.memory_space<vmem>>) target_semaphore(%run_scoped3A : memref<!tpu.dma_semaphore, #tpu.memory_space<semaphore_mem>>)
      %dma_wait3A_185 = tpu.memref_slice %arg2[%mul3A_0] : memref<204800xf32, #tpu.memory_space<hbm>> -> memref<12800xf32, #tpu.memory_space<hbm>>
      %dma_wait3A_186 = tpu.memref_slice %arg2[%mul3A_0] : memref<204800xf32, #tpu.memory_space<hbm>> -> memref<12800xf32, #tpu.memory_space<hbm>>
      tpu.wait_dma2 semaphore(%run_scoped3A : memref<!tpu.dma_semaphore, #tpu.memory_space<semaphore_mem>>) src(%dma_wait3A_186 : memref<12800xf32, #tpu.memory_space<hbm>>) dst(%arg5 : memref<12800xf32, #tpu.memory_space<vmem>>)
      tpu.yield
    }) : () -> ()
    %dma_start3A = tpu.memref_slice %arg3[%mul3A_0] : memref<204800xf32, #tpu.memory_space<hbm>> -> memref<12800xf32, #tpu.memory_space<hbm>>
    %dma_start3A_1 = tpu.memref_slice %arg3[%mul3A_0] : memref<204800xf32, #tpu.memory_space<hbm>> -> memref<12800xf32, #tpu.memory_space<hbm>>
    tpu.enqueue_dma source(%dma_start3A_1 : memref<12800xf32, #tpu.memory_space<hbm>>) target(%arg6 : memref<12800xf32, #tpu.memory_space<vmem>>) target_semaphore(%arg10 : memref<!tpu.dma_semaphore, #tpu.memory_space<semaphore_mem>>)
    %broadcast_in_dim3A = arith.constant 0.000000e+00 : f32
    %broadcast_in_dim3A_2 = vector.broadcast %broadcast_in_dim3A : f32 to vector<16xf32>
    %scan3A = arith.constant 0 : i32
    %scan3A_3 = arith.constant 800 : i32
    %scan3A_4 = arith.addi %scan3A, %scan3A_3 : i32
    %scan3A_5 = arith.constant 1 : i32
    %scan3A_6 = scf.for %scan3A_183 = %scan3A to %scan3A_4 step %scan3A_5 iter_args(%scan3A_184 = %broadcast_in_dim3A_2) -> (vector<16xf32>)  : i32 {
      %mul3A_185 = arith.constant 16 : i32
      %mul3A_186 = arith.muli %scan3A_183, %mul3A_185 : i32
      %get3A_187 = arith.index_cast %mul3A_186 : i32 to index
      %get3A_188 = tpu.vector_load %arg5[%get3A_187] {strides = array<i32>} : memref<12800xf32, #tpu.memory_space<vmem>>, vector<16xf32>,
      %get3A_189 = vector.shape_cast %get3A_188 : vector<16xf32> to vector<16xf32>
      %mul3A_190 = arith.mulf %get3A_189, %get3A_189 : vector<16xf32>
      %add3A_191 = arith.addf %scan3A_184, %mul3A_190 : vector<16xf32>
      scf.yield %add3A_191 : vector<16xf32>
    }
    %scan3A_7 = arith.constant 800 : i32
    %swap3A = arith.constant 0 : index
    %swap3A_8 = tpu.vector_load %arg7[%swap3A] {strides = array<i32>} : memref<16xf32, #tpu.memory_space<vmem>>, vector<16xf32>,
    %swap3A_9 = vector.shape_cast %swap3A_8 : vector<16xf32> to vector<16xf32>
    %swap3A_10 = vector.shape_cast %scan3A_6 : vector<16xf32> to vector<16xf32>
    tpu.vector_store %arg7[%swap3A], %swap3A_10 {strides = array<i32>} : memref<16xf32, #tpu.memory_space<vmem>>, vector<16xf32>,
    "tpu.region"() ({
      %run_scoped3A = tpu.sem_alloc : memref<!tpu.dma_semaphore, #tpu.memory_space<semaphore_mem>>
      %dma_start3A_183 = arith.constant 0 : i32
      %dma_start3A_184 = tpu.memref_slice %arg9[%arg1, %dma_start3A_183] : memref<16x16xf32, #tpu.memory_space<vmem_shared>> -> memref<1x16xf32, #tpu.memory_space<vmem_shared>>
      %dma_start3A_185 = tpu.memref_squeeze %dma_start3A_184 : memref<1x16xf32, #tpu.memory_space<vmem_shared>> -> memref<16xf32, #tpu.memory_space<vmem_shared>>
      %dma_start3A_186 = arith.constant 0 : i32
      %dma_start3A_187 = tpu.memref_slice %arg9[%arg1, %dma_start3A_186] : memref<16x16xf32, #tpu.memory_space<vmem_shared>> -> memref<1x16xf32, #tpu.memory_space<vmem_shared>>
      %dma_start3A_188 = tpu.memref_squeeze %dma_start3A_187 : memref<1x16xf32, #tpu.memory_space<vmem_shared>> -> memref<16xf32, #tpu.memory_space<vmem_shared>>
      tpu.enqueue_dma source(%arg7 : memref<16xf32, #tpu.memory_space<vmem>>) target(%dma_start3A_188 : memref<16xf32, #tpu.memory_space<vmem_shared>>) target_semaphore(%run_scoped3A : memref<!tpu.dma_semaphore, #tpu.memory_space<semaphore_mem>>)
      %dma_wait3A_189 = arith.constant 0 : i32
      %dma_wait3A_190 = tpu.memref_slice %arg9[%arg1, %dma_wait3A_189] : memref<16x16xf32, #tpu.memory_space<vmem_shared>> -> memref<1x16xf32, #tpu.memory_space<vmem_shared>>
      %dma_wait3A_191 = tpu.memref_squeeze %dma_wait3A_190 : memref<1x16xf32, #tpu.memory_space<vmem_shared>> -> memref<16xf32, #tpu.memory_space<vmem_shared>>
      %dma_wait3A_192 = arith.constant 0 : i32
      %dma_wait3A_193 = tpu.memref_slice %arg9[%arg1, %dma_wait3A_192] : memref<16x16xf32, #tpu.memory_space<vmem_shared>> -> memref<1x16xf32, #tpu.memory_space<vmem_shared>>
      %dma_wait3A_194 = tpu.memref_squeeze %dma_wait3A_193 : memref<1x16xf32, #tpu.memory_space<vmem_shared>> -> memref<16xf32, #tpu.memory_space<vmem_shared>>
      tpu.wait_dma2 semaphore(%run_scoped3A : memref<!tpu.dma_semaphore, #tpu.memory_space<semaphore_mem>>) src(%arg7 : memref<16xf32, #tpu.memory_space<vmem>>) dst(%dma_wait3A_194 : memref<16xf32, #tpu.memory_space<vmem_shared>>)
      tpu.yield
    }) : () -> ()
    %barrier3A = arith.constant 0 : index
    tpu.barrier barrier_id(%barrier3A)
    "tpu.region"() ({
      %run_scoped3A = tpu.sem_alloc : memref<!tpu.dma_semaphore, #tpu.memory_space<semaphore_mem>>
      tpu.enqueue_dma source(%arg9 : memref<16x16xf32, #tpu.memory_space<vmem_shared>>) target(%arg8 : memref<16x16xf32, #tpu.memory_space<vmem>>) target_semaphore(%run_scoped3A : memref<!tpu.dma_semaphore, #tpu.memory_space<semaphore_mem>>)
      tpu.wait_dma2 semaphore(%run_scoped3A : memref<!tpu.dma_semaphore, #tpu.memory_space<semaphore_mem>>) src(%arg9 : memref<16x16xf32, #tpu.memory_space<vmem_shared>>) dst(%arg8 : memref<16x16xf32, #tpu.memory_space<vmem>>)
      tpu.yield
    }) : () -> ()
    %get3A = arith.constant 0 : i32
    %get3A_11 = arith.index_cast %get3A : i32 to index
    %get3A_12 = arith.constant 0 : index
    %get3A_13 = tpu.vector_load %arg8[%get3A_11, %get3A_12] {strides = array<i32>} : memref<16x16xf32, #tpu.memory_space<vmem>>, vector<1x16xf32>,
    %get3A_14 = vector.shape_cast %get3A_13 : vector<1x16xf32> to vector<16xf32>
    %get3A_15 = arith.constant 1 : i32
    %get3A_16 = arith.index_cast %get3A_15 : i32 to index
    %get3A_17 = arith.constant 0 : index
    %get3A_18 = tpu.vector_load %arg8[%get3A_16, %get3A_17] {strides = array<i32>} : memref<16x16xf32, #tpu.memory_space<vmem>>, vector<1x16xf32>,
    %get3A_19 = vector.shape_cast %get3A_18 : vector<1x16xf32> to vector<16xf32>
    %add3A = arith.addf %get3A_14, %get3A_19 : vector<16xf32>
    %get3A_20 = arith.constant 2 : i32
    %get3A_21 = arith.index_cast %get3A_20 : i32 to index
    %get3A_22 = arith.constant 0 : index
    %get3A_23 = tpu.vector_load %arg8[%get3A_21, %get3A_22] {strides = array<i32>} : memref<16x16xf32, #tpu.memory_space<vmem>>, vector<1x16xf32>,
    %get3A_24 = vector.shape_cast %get3A_23 : vector<1x16xf32> to vector<16xf32>
    %add3A_25 = arith.addf %add3A, %get3A_24 : vector<16xf32>
    %get3A_26 = arith.constant 3 : i32
    %get3A_27 = arith.index_cast %get3A_26 : i32 to index
    %get3A_28 = arith.constant 0 : index
    %get3A_29 = tpu.vector_load %arg8[%get3A_27, %get3A_28] {strides = array<i32>} : memref<16x16xf32, #tpu.memory_space<vmem>>, vector<1x16xf32>,
    %get3A_30 = vector.shape_cast %get3A_29 : vector<1x16xf32> to vector<16xf32>
    %add3A_31 = arith.addf %add3A_25, %get3A_30 : vector<16xf32>
    %get3A_32 = arith.constant 4 : i32
    %get3A_33 = arith.index_cast %get3A_32 : i32 to index
    %get3A_34 = arith.constant 0 : index
    %get3A_35 = tpu.vector_load %arg8[%get3A_33, %get3A_34] {strides = array<i32>} : memref<16x16xf32, #tpu.memory_space<vmem>>, vector<1x16xf32>,
    %get3A_36 = vector.shape_cast %get3A_35 : vector<1x16xf32> to vector<16xf32>
    %add3A_37 = arith.addf %add3A_31, %get3A_36 : vector<16xf32>
    %get3A_38 = arith.constant 5 : i32
    %get3A_39 = arith.index_cast %get3A_38 : i32 to index
    %get3A_40 = arith.constant 0 : index
    %get3A_41 = tpu.vector_load %arg8[%get3A_39, %get3A_40] {strides = array<i32>} : memref<16x16xf32, #tpu.memory_space<vmem>>, vector<1x16xf32>,
    %get3A_42 = vector.shape_cast %get3A_41 : vector<1x16xf32> to vector<16xf32>
    %add3A_43 = arith.addf %add3A_37, %get3A_42 : vector<16xf32>
    %get3A_44 = arith.constant 6 : i32
    %get3A_45 = arith.index_cast %get3A_44 : i32 to index
    %get3A_46 = arith.constant 0 : index
    %get3A_47 = tpu.vector_load %arg8[%get3A_45, %get3A_46] {strides = array<i32>} : memref<16x16xf32, #tpu.memory_space<vmem>>, vector<1x16xf32>,
    %get3A_48 = vector.shape_cast %get3A_47 : vector<1x16xf32> to vector<16xf32>
    %add3A_49 = arith.addf %add3A_43, %get3A_48 : vector<16xf32>
    %get3A_50 = arith.constant 7 : i32
    %get3A_51 = arith.index_cast %get3A_50 : i32 to index
    %get3A_52 = arith.constant 0 : index
    %get3A_53 = tpu.vector_load %arg8[%get3A_51, %get3A_52] {strides = array<i32>} : memref<16x16xf32, #tpu.memory_space<vmem>>, vector<1x16xf32>,
    %get3A_54 = vector.shape_cast %get3A_53 : vector<1x16xf32> to vector<16xf32>
    %add3A_55 = arith.addf %add3A_49, %get3A_54 : vector<16xf32>
    %get3A_56 = arith.constant 8 : i32
    %get3A_57 = arith.index_cast %get3A_56 : i32 to index
    %get3A_58 = arith.constant 0 : index
    %get3A_59 = tpu.vector_load %arg8[%get3A_57, %get3A_58] {strides = array<i32>} : memref<16x16xf32, #tpu.memory_space<vmem>>, vector<1x16xf32>,
    %get3A_60 = vector.shape_cast %get3A_59 : vector<1x16xf32> to vector<16xf32>
    %add3A_61 = arith.addf %add3A_55, %get3A_60 : vector<16xf32>
    %get3A_62 = arith.constant 9 : i32
    %get3A_63 = arith.index_cast %get3A_62 : i32 to index
    %get3A_64 = arith.constant 0 : index
    %get3A_65 = tpu.vector_load %arg8[%get3A_63, %get3A_64] {strides = array<i32>} : memref<16x16xf32, #tpu.memory_space<vmem>>, vector<1x16xf32>,
    %get3A_66 = vector.shape_cast %get3A_65 : vector<1x16xf32> to vector<16xf32>
    %add3A_67 = arith.addf %add3A_61, %get3A_66 : vector<16xf32>
    %get3A_68 = arith.constant 10 : i32
    %get3A_69 = arith.index_cast %get3A_68 : i32 to index
    %get3A_70 = arith.constant 0 : index
    %get3A_71 = tpu.vector_load %arg8[%get3A_69, %get3A_70] {strides = array<i32>} : memref<16x16xf32, #tpu.memory_space<vmem>>, vector<1x16xf32>,
    %get3A_72 = vector.shape_cast %get3A_71 : vector<1x16xf32> to vector<16xf32>
    %add3A_73 = arith.addf %add3A_67, %get3A_72 : vector<16xf32>
    %get3A_74 = arith.constant 11 : i32
    %get3A_75 = arith.index_cast %get3A_74 : i32 to index
    %get3A_76 = arith.constant 0 : index
    %get3A_77 = tpu.vector_load %arg8[%get3A_75, %get3A_76] {strides = array<i32>} : memref<16x16xf32, #tpu.memory_space<vmem>>, vector<1x16xf32>,
    %get3A_78 = vector.shape_cast %get3A_77 : vector<1x16xf32> to vector<16xf32>
    %add3A_79 = arith.addf %add3A_73, %get3A_78 : vector<16xf32>
    %get3A_80 = arith.constant 12 : i32
    %get3A_81 = arith.index_cast %get3A_80 : i32 to index
    %get3A_82 = arith.constant 0 : index
    %get3A_83 = tpu.vector_load %arg8[%get3A_81, %get3A_82] {strides = array<i32>} : memref<16x16xf32, #tpu.memory_space<vmem>>, vector<1x16xf32>,
    %get3A_84 = vector.shape_cast %get3A_83 : vector<1x16xf32> to vector<16xf32>
    %add3A_85 = arith.addf %add3A_79, %get3A_84 : vector<16xf32>
    %get3A_86 = arith.constant 13 : i32
    %get3A_87 = arith.index_cast %get3A_86 : i32 to index
    %get3A_88 = arith.constant 0 : index
    %get3A_89 = tpu.vector_load %arg8[%get3A_87, %get3A_88] {strides = array<i32>} : memref<16x16xf32, #tpu.memory_space<vmem>>, vector<1x16xf32>,
    %get3A_90 = vector.shape_cast %get3A_89 : vector<1x16xf32> to vector<16xf32>
    %add3A_91 = arith.addf %add3A_85, %get3A_90 : vector<16xf32>
    %get3A_92 = arith.constant 14 : i32
    %get3A_93 = arith.index_cast %get3A_92 : i32 to index
    %get3A_94 = arith.constant 0 : index
    %get3A_95 = tpu.vector_load %arg8[%get3A_93, %get3A_94] {strides = array<i32>} : memref<16x16xf32, #tpu.memory_space<vmem>>, vector<1x16xf32>,
    %get3A_96 = vector.shape_cast %get3A_95 : vector<1x16xf32> to vector<16xf32>
    %add3A_97 = arith.addf %add3A_91, %get3A_96 : vector<16xf32>
    %get3A_98 = arith.constant 15 : i32
    %get3A_99 = arith.index_cast %get3A_98 : i32 to index
    %get3A_100 = arith.constant 0 : index
    %get3A_101 = tpu.vector_load %arg8[%get3A_99, %get3A_100] {strides = array<i32>} : memref<16x16xf32, #tpu.memory_space<vmem>>, vector<1x16xf32>,
    %get3A_102 = vector.shape_cast %get3A_101 : vector<1x16xf32> to vector<16xf32>
    %add3A_103 = arith.addf %add3A_97, %get3A_102 : vector<16xf32>
    %iota3A = tpu.iota {dimensions = array<i32: 0>} : vector<16xi32>
    %xor3A = arith.constant 8 : i32
    %xor3A_104 = vector.broadcast %xor3A : i32 to vector<16xi32>
    %xor3A_105 = arith.xori %iota3A, %xor3A_104 : vector<16xi32>
    %broadcast_in_dim3A_106 = vector.shape_cast %xor3A_105 : vector<16xi32> to vector<16x1xi32>
    %gather3A = vector.shape_cast %broadcast_in_dim3A_106 : vector<16x1xi32> to vector<16xi32>
    %gather3A_107 = tpu.dynamic_gather %add3A_103[%gather3A] in [0] : vector<16xf32>, vector<16xi32> -> vector<16xf32>
    %add3A_108 = arith.addf %add3A_103, %gather3A_107 : vector<16xf32>
    %xor3A_109 = arith.constant 4 : i32
    %xor3A_110 = vector.broadcast %xor3A_109 : i32 to vector<16xi32>
    %xor3A_111 = arith.xori %iota3A, %xor3A_110 : vector<16xi32>
    %broadcast_in_dim3A_112 = vector.shape_cast %xor3A_111 : vector<16xi32> to vector<16x1xi32>
    %gather3A_113 = vector.shape_cast %broadcast_in_dim3A_112 : vector<16x1xi32> to vector<16xi32>
    %gather3A_114 = tpu.dynamic_gather %add3A_108[%gather3A_113] in [0] : vector<16xf32>, vector<16xi32> -> vector<16xf32>
    %add3A_115 = arith.addf %add3A_108, %gather3A_114 : vector<16xf32>
    %xor3A_116 = arith.constant 2 : i32
    %xor3A_117 = vector.broadcast %xor3A_116 : i32 to vector<16xi32>
    %xor3A_118 = arith.xori %iota3A, %xor3A_117 : vector<16xi32>
    %broadcast_in_dim3A_119 = vector.shape_cast %xor3A_118 : vector<16xi32> to vector<16x1xi32>
    %gather3A_120 = vector.shape_cast %broadcast_in_dim3A_119 : vector<16x1xi32> to vector<16xi32>
    %gather3A_121 = tpu.dynamic_gather %add3A_115[%gather3A_120] in [0] : vector<16xf32>, vector<16xi32> -> vector<16xf32>
    %add3A_122 = arith.addf %add3A_115, %gather3A_121 : vector<16xf32>
    %xor3A_123 = arith.constant 1 : i32
    %xor3A_124 = vector.broadcast %xor3A_123 : i32 to vector<16xi32>
    %xor3A_125 = arith.xori %iota3A, %xor3A_124 : vector<16xi32>
    %broadcast_in_dim3A_126 = vector.shape_cast %xor3A_125 : vector<16xi32> to vector<16x1xi32>
    %gather3A_127 = vector.shape_cast %broadcast_in_dim3A_126 : vector<16x1xi32> to vector<16xi32>
    %gather3A_128 = tpu.dynamic_gather %add3A_122[%gather3A_127] in [0] : vector<16xf32>, vector<16xi32> -> vector<16xf32>
    %add3A_129 = arith.addf %add3A_122, %gather3A_128 : vector<16xf32>
    %bitcast_convert_type3A = tpu.bitcast %add3A_129 : vector<16xf32> -> vector<16xi32>
    %shift_right_logical3A = arith.constant 1 : i32
    %shift_right_logical3A_130 = vector.broadcast %shift_right_logical3A : i32 to vector<16xi32>
    %shift_right_logical3A_131 = arith.shrui %bitcast_convert_type3A, %shift_right_logical3A_130 : vector<16xi32>
    %sub3A = arith.constant 1597463007 : i32
    %sub3A_132 = vector.broadcast %sub3A : i32 to vector<16xi32>
    %sub3A_133 = arith.subi %sub3A_132, %shift_right_logical3A_131 : vector<16xi32>
    %bitcast_convert_type3A_134 = tpu.bitcast %sub3A_133 : vector<16xi32> -> vector<16xf32>
    %mul3A_135 = arith.mulf %add3A_129, %bitcast_convert_type3A_134 : vector<16xf32>
    %mul3A_136 = arith.constant 5.000000e-01 : f32
    %mul3A_137 = vector.broadcast %mul3A_136 : f32 to vector<16xf32>
    %mul3A_138 = arith.mulf %mul3A_137, %mul3A_135 : vector<16xf32>
    %mul3A_139 = arith.mulf %mul3A_138, %bitcast_convert_type3A_134 : vector<16xf32>
    %sub3A_140 = arith.constant 1.500000e+00 : f32
    %sub3A_141 = vector.broadcast %sub3A_140 : f32 to vector<16xf32>
    %sub3A_142 = arith.subf %sub3A_141, %mul3A_139 : vector<16xf32>
    %mul3A_143 = arith.mulf %bitcast_convert_type3A_134, %sub3A_142 : vector<16xf32>
    %mul3A_144 = arith.mulf %add3A_129, %mul3A_143 : vector<16xf32>
    %mul3A_145 = arith.constant 5.000000e-01 : f32
    %mul3A_146 = vector.broadcast %mul3A_145 : f32 to vector<16xf32>
    %mul3A_147 = arith.mulf %mul3A_146, %mul3A_144 : vector<16xf32>
    %mul3A_148 = arith.mulf %mul3A_147, %mul3A_143 : vector<16xf32>
    %sub3A_149 = arith.constant 1.500000e+00 : f32
    %sub3A_150 = vector.broadcast %sub3A_149 : f32 to vector<16xf32>
    %sub3A_151 = arith.subf %sub3A_150, %mul3A_148 : vector<16xf32>
    %mul3A_152 = arith.mulf %mul3A_143, %sub3A_151 : vector<16xf32>
    %mul3A_153 = arith.mulf %add3A_129, %mul3A_152 : vector<16xf32>
    %mul3A_154 = arith.constant 5.000000e-01 : f32
    %mul3A_155 = vector.broadcast %mul3A_154 : f32 to vector<16xf32>
    %mul3A_156 = arith.mulf %mul3A_155, %mul3A_153 : vector<16xf32>
    %mul3A_157 = arith.mulf %mul3A_156, %mul3A_152 : vector<16xf32>
    %sub3A_158 = arith.constant 1.500000e+00 : f32
    %sub3A_159 = vector.broadcast %sub3A_158 : f32 to vector<16xf32>
    %sub3A_160 = arith.subf %sub3A_159, %mul3A_157 : vector<16xf32>
    %mul3A_161 = arith.mulf %mul3A_152, %sub3A_160 : vector<16xf32>
    %mul3A_162 = arith.mulf %add3A_129, %mul3A_161 : vector<16xf32>
    %mul3A_163 = arith.constant 5.000000e-01 : f32
    %mul3A_164 = vector.broadcast %mul3A_163 : f32 to vector<16xf32>
    %mul3A_165 = arith.mulf %mul3A_164, %mul3A_162 : vector<16xf32>
    %mul3A_166 = arith.mulf %mul3A_165, %mul3A_161 : vector<16xf32>
    %sub3A_167 = arith.constant 1.500000e+00 : f32
    %sub3A_168 = vector.broadcast %sub3A_167 : f32 to vector<16xf32>
    %sub3A_169 = arith.subf %sub3A_168, %mul3A_166 : vector<16xf32>
    %mul3A_170 = arith.mulf %mul3A_161, %sub3A_169 : vector<16xf32>
    %mul3A_171 = arith.constant 0.00999999977 : f32
    %mul3A_172 = vector.broadcast %mul3A_171 : f32 to vector<16xf32>
    %mul3A_173 = arith.mulf %mul3A_172, %mul3A_170 : vector<16xf32>
    %min3A = arith.constant 1.000000e+00 : f32
    %min3A_174 = vector.broadcast %min3A : f32 to vector<16xf32>
    %min3A_175 = arith.minimumf %min3A_174, %mul3A_173 : vector<16xf32>
    %dma_wait3A = tpu.memref_slice %arg3[%mul3A_0] : memref<204800xf32, #tpu.memory_space<hbm>> -> memref<12800xf32, #tpu.memory_space<hbm>>
    %dma_wait3A_176 = tpu.memref_slice %arg3[%mul3A_0] : memref<204800xf32, #tpu.memory_space<hbm>> -> memref<12800xf32, #tpu.memory_space<hbm>>
    tpu.wait_dma2 semaphore(%arg10 : memref<!tpu.dma_semaphore, #tpu.memory_space<semaphore_mem>>) src(%dma_wait3A_176 : memref<12800xf32, #tpu.memory_space<hbm>>) dst(%arg6 : memref<12800xf32, #tpu.memory_space<vmem>>)
    %scan3A_177 = arith.constant 0 : i32
    %scan3A_178 = arith.constant 0 : i32
    %scan3A_179 = arith.constant 800 : i32
    %scan3A_180 = arith.addi %scan3A_178, %scan3A_179 : i32
    %scan3A_181 = arith.constant 1 : i32
    scf.for %scan3A_183 = %scan3A_178 to %scan3A_180 step %scan3A_181  : i32 {
      %mul3A_184 = arith.constant 16 : i32
      %mul3A_185 = arith.muli %scan3A_183, %mul3A_184 : i32
      %get3A_186 = arith.index_cast %mul3A_185 : i32 to index
      %get3A_187 = tpu.vector_load %arg5[%get3A_186] {strides = array<i32>} : memref<12800xf32, #tpu.memory_space<vmem>>, vector<16xf32>,
      %get3A_188 = vector.shape_cast %get3A_187 : vector<16xf32> to vector<16xf32>
      %mul3A_189 = arith.mulf %min3A_175, %get3A_188 : vector<16xf32>
      %get3A_190 = arith.index_cast %mul3A_185 : i32 to index
      %get3A_191 = tpu.vector_load %arg6[%get3A_190] {strides = array<i32>} : memref<12800xf32, #tpu.memory_space<vmem>>, vector<16xf32>,
      %get3A_192 = vector.shape_cast %get3A_191 : vector<16xf32> to vector<16xf32>
      %add3A_193 = arith.addf %mul3A_189, %get3A_192 : vector<16xf32>
      %swap3A_194 = arith.index_cast %mul3A_185 : i32 to index
      %swap3A_195 = tpu.vector_load %arg5[%swap3A_194] {strides = array<i32>} : memref<12800xf32, #tpu.memory_space<vmem>>, vector<16xf32>,
      %swap3A_196 = vector.shape_cast %swap3A_195 : vector<16xf32> to vector<16xf32>
      %swap3A_197 = vector.shape_cast %add3A_193 : vector<16xf32> to vector<16xf32>
      tpu.vector_store %arg5[%swap3A_194], %swap3A_197 {strides = array<i32>} : memref<12800xf32, #tpu.memory_space<vmem>>, vector<16xf32>,
    }
    %scan3A_182 = arith.constant 800 : i32
    "tpu.region"() ({
      %run_scoped3A = tpu.sem_alloc : memref<!tpu.dma_semaphore, #tpu.memory_space<semaphore_mem>>
      %dma_start3A_183 = tpu.memref_slice %arg4[%mul3A_0] : memref<204800xf32, #tpu.memory_space<hbm>> -> memref<12800xf32, #tpu.memory_space<hbm>>
      %dma_start3A_184 = tpu.memref_slice %arg4[%mul3A_0] : memref<204800xf32, #tpu.memory_space<hbm>> -> memref<12800xf32, #tpu.memory_space<hbm>>
      tpu.enqueue_dma source(%arg5 : memref<12800xf32, #tpu.memory_space<vmem>>) target(%dma_start3A_184 : memref<12800xf32, #tpu.memory_space<hbm>>) target_semaphore(%run_scoped3A : memref<!tpu.dma_semaphore, #tpu.memory_space<semaphore_mem>>)
      %dma_wait3A_185 = tpu.memref_slice %arg4[%mul3A_0] : memref<204800xf32, #tpu.memory_space<hbm>> -> memref<12800xf32, #tpu.memory_space<hbm>>
      %dma_wait3A_186 = tpu.memref_slice %arg4[%mul3A_0] : memref<204800xf32, #tpu.memory_space<hbm>> -> memref<12800xf32, #tpu.memory_space<hbm>>
      tpu.wait_dma2 semaphore(%run_scoped3A : memref<!tpu.dma_semaphore, #tpu.memory_space<semaphore_mem>>) src(%arg5 : memref<12800xf32, #tpu.memory_space<vmem>>) dst(%dma_wait3A_186 : memref<12800xf32, #tpu.memory_space<hbm>>)
      tpu.yield
    }) : () -> ()
    return
  }
}

</mosaic_0001>

<sc_bundles>
// kernel: kernel.3.cloned.1.call-start
scs
__scs_entry_jumppad:
0x0: {  	(pc) =	sbr.rel $0x88, $3  }
0x1: {  	(tag) =	ssettag $0x0;
	lr =	simm.s32 $0x1  }
0x2: {  	[smem:$0x3F9F] =	sst lr;
	_ =	strace $0xD0000000  }
0x3: {  	_ = 	snop  }
0x4: {  	_ = 	snop  }
0x5: {  	_ = 	snop  }
0x6: {  	_ = 	snop  }
0x7: {  	_ = 	snop  }
__scs_overlays_trampoline_lowered:
0x8: {  	[smem:$0x3FAE] =	sst s0  }
0x9: {  	[smem:$0x3FAF] =	sst s1  }
0xa: {  	[smem:$0x3FB0] =	sst s2  }
0xb: {  	[smem:$0x3FB1] =	sst s3  }
0xc: {  	[smem:$0x3FB2] =	sst s4  }
0xd: {  	[smem:$0x3FB3] =	sst s5  }
0xe: {  	[smem:$0x3FB4] =	sst s6  }
0xf: {  	[smem:$0x3FB5] =	sst s7  }
0x10: {  	[smem:$0x3FB6] =	sst s8  }
0x11: {  	[smem:$0x3FB7] =	sst s9;
	s0 =	simm.s32 @!p0 $0x0  }
0x12: {  	s1 =	sld [smem:$0x3F9D];
	s0 =	simm.s32 @p0 $0x1  }
0x13: {  	[smem:$0x3FB8] =	sst s0;
	s0 =	simm.s32 @!p1 $0x0  }
0x14: {  	s2 =	sld [smem:$0x3F9C];
	s0 =	simm.s32 @p1 $0x1  }
0x15: {  	[smem:$0x3FB9] =	sst s0;
	s0 =	simm.s32 @!p2 $0x0  }
0x16: {  	s3 =	sld [smem:$0x3FDB];
	s0 =	simm.s32 @p2 $0x1  }
0x17: {  	s4 =	simm.s32 $0x1BF5;
	[smem:$0x3FBB] =	sst s0  }
0x18: {  	s0 =	sld [smem:$0x3F9E];
	_ =	swait.ge [sflag:s4], $0x0  }
0x19: {  	s7 =	sld [smem:$0x3F9F]  }
0x1a: {  	s8 =	sadd.s32 $0xFFFFE003, lr  }
0x1b: {  	s9 =	sadd.s32 $0xFFFFFEF7, lr;
	s5 =	simm.s32 $0xFFFFFFFF;
	p2 =	slt.u32 s8, $0xFFFFF086  }
0x1c: {  	p1 =	slt.u32 s9, $0xF7A;
	s5 =	simm.s32 @!p2 $0x0  }
0x1d: {  	s5 =	simm.s32 @p1 $0x1;
	p0 =	seq.s32 s7, s2  }
0x1e: {  	s7 =	smul.u32 @!p0 $0xF7A, s2;
	p2 =	seq.s32 @!p0 s5, $0x0  }
0x1f: {  	s9 =	smul.u32 $0xF7A, s1;
	s8 =	simm.s32 @!p0 $0x1BF5;
	p2 =	por !p2, p0  }
0x20: {  	[sflag:s8] =	ssyncset.s32 @!p0 $0xFFFFF086;
	s6 =	sadd.s32 @!p0 s3, s7;
	s7 =	simm.s32 @!p0 $0x108  }
0x21: {  	s3 =	sadd.s32 s3, s9;
	s6 =	sadd.s32 @!p0 $0x88, s6;
	s7 =	simm.s32 @p2 $0x1082  }
0x22: {  	[simem:s7], [sflag:s8] =	dma.local @!p0 [hbm:s6], $0xF7A  }
0x23: {  	s9 =	sor.u32 $0xD0000000, s2;
	s6 =	simm.s32 $0x108;
	_ =	swait.ge @!p0 [sflag:s8], $0x0  }
0x24: {  	s3 =	sadd.s32 $0x88, s3;
	s6 =	simm.s32 @!p1 $0x1082;
	[sflag:s4] =	ssyncset.s32 $0xFFFFF086  }
0x25: {  	[simem:s6], [sflag:s4] =	dma.local [hbm:s3], $0xF7A  }
0x26: {  	[smem:$0x3F9F] =	sst s1;
	(tag) =	ssettag s2;
	_ =	strace s9  }
0x27: {  	s1 =	sld [smem:$0x3FAF]  }
0x28: {  	s2 =	sld [smem:$0x3FB0]  }
0x29: {  	s4 =	sld [smem:$0x3FB2]  }
0x2a: {  	p0 =	seq.s32 s5, $0x0;
	s5 =	sld [smem:$0x3FB3]  }
0x2b: {  	s6 =	sld [smem:$0x3FB4]  }
0x2c: {  	s7 =	sld [smem:$0x3FB5]  }
0x2d: {  	s3 =	simm.s32 $0x108;
	s8 =	sld [smem:$0x3FB6]  }
0x2e: {  	s3 =	simm.s32 @!p0 $0x1082;
	s9 =	sld [smem:$0x3FB7]  }
0x2f: {  	lr =	sadd.s32 s0, s3;
	s0 =	sld [smem:$0x3FAE]  }
0x30: {  	s3 =	sld [smem:$0x3FB1]  }
0x31: {  	[smem:$0x3FBA] =	sst s10  }
0x32: {  	s10 =	sld [smem:$0x3FB8];
	_ =	sdelay $0x3  }
0x33: {  	p0 =	seq.s32 s10, $0x1;
	s10 =	sld [smem:$0x3FBA];
	_ =	sdelay $0x3  }
0x34: {  	[smem:$0x3FBA] =	sst s10  }
0x35: {  	s10 =	sld [smem:$0x3FB9];
	_ =	sdelay $0x3  }
0x36: {  	p1 =	seq.s32 s10, $0x1;
	s10 =	sld [smem:$0x3FBA];
	_ =	sdelay $0x3  }
0x37: {  	[smem:$0x3FBA] =	sst s10  }
0x38: {  	s10 =	sld [smem:$0x3FBB]  }
0x39: {  	_ = 	snop;
	(pc) =	sbr.ind lr, $3  }
0x3a: {  	_ = 	snop  }
0x3b: {  	_ = 	snop  }
0x3c: {  	p2 =	seq.s32 s10, $0x1;
	s10 =	sld [smem:$0x3FBA]  }
0x3d: {  	_ =	shalt  }
0x3e: {  	_ =	shalt  }
0x3f: {  	_ =	shalt  }
0x40: {  	_ =	shalt  }
0x41: {  	_ =	shalt  }
0x42: {  	_ =	shalt  }
0x43: {  	_ =	shalt  }
0x44: {  	_ =	shalt  }
0x45: {  	_ =	shalt  }
0x46: {  	_ =	shalt  }
0x47: {  	_ =	shalt  }
0x48: {  	_ =	shalt  }
0x49: {  	_ =	shalt  }
0x4a: {  	_ =	shalt  }
0x4b: {  	_ =	shalt  }
0x4c: {  	_ =	shalt  }
0x4d: {  	_ =	shalt  }
0x4e: {  	_ =	shalt  }
0x4f: {  	_ =	shalt  }
0x50: {  	_ =	shalt  }
0x51: {  	_ =	shalt  }
0x52: {  	_ =	shalt  }
0x53: {  	_ =	shalt  }
0x54: {  	_ =	shalt  }
0x55: {  	_ =	shalt  }
0x56: {  	_ =	shalt  }
0x57: {  	_ =	shalt  }
0x58: {  	_ =	shalt  }
0x59: {  	_ =	shalt  }
0x5a: {  	_ =	shalt  }
0x5b: {  	_ =	shalt  }
0x5c: {  	_ =	shalt  }
0x5d: {  	_ =	shalt  }
0x5e: {  	_ =	shalt  }
0x5f: {  	_ =	shalt  }
0x60: {  	_ =	shalt  }
0x61: {  	_ =	shalt  }
0x62: {  	_ =	shalt  }
0x63: {  	_ =	shalt  }
0x64: {  	_ =	shalt  }
0x65: {  	_ =	shalt  }
0x66: {  	_ =	shalt  }
0x67: {  	_ =	shalt  }
0x68: {  	_ =	shalt  }
0x69: {  	_ =	shalt  }
0x6a: {  	_ =	shalt  }
0x6b: {  	_ =	shalt  }
0x6c: {  	_ =	shalt  }
0x6d: {  	_ =	shalt  }
0x6e: {  	_ =	shalt  }
0x6f: {  	_ =	shalt  }
0x70: {  	_ =	shalt  }
0x71: {  	_ =	shalt  }
0x72: {  	_ =	shalt  }
0x73: {  	_ =	shalt  }
0x74: {  	_ =	shalt  }
0x75: {  	_ =	shalt  }
0x76: {  	_ =	shalt  }
0x77: {  	_ =	shalt  }
0x78: {  	_ =	shalt  }
0x79: {  	_ =	shalt  }
0x7a: {  	_ =	shalt  }
0x7b: {  	_ =	shalt  }
0x7c: {  	_ =	shalt  }
0x7d: {  	_ =	shalt  }
0x7e: {  	_ =	shalt  }
0x7f: {  	_ =	shalt  }
0x80: {  	_ =	shalt  }
0x81: {  	_ =	shalt  }
0x82: {  	_ =	shalt  }
0x83: {  	_ =	shalt  }
0x84: {  	_ =	shalt  }
0x85: {  	_ =	shalt  }
0x86: {  	_ =	shalt  }
0x87: {  	_ =	shalt  }
.Lfunc_end0:
.L_simem_size_0:
called_computation_lowered:
.L_overlay_start_0:
0x88: {  	s0 =	sld [smem:$0x3FD9]  }
0x89: {  	s1 =	sld [smem:$0x3FFE];
	_ =	sdelay $0x3  }
0x8a: {  	s0 =	sadd.s32 s1, s0  }
0x8b: {  	[smem:$0x3FC6] =	sst s0  }
0x8c: {  	_ = 	snop  }
0x8d: {  	s0 =	sld [smem:$0x3FD0];
	(tm) =	ssettm $0x1  }
0x8e: {  	s16 =	sld [smem:$0x3FFB];
	_ =	sdelay $0x3  }
0x8f: {  	_ =	strace s16  }
0x90: {  	s1 =	sld [smem:$0x3FFC];
	_ =	sdelay $0x3  }
0x91: {  	_ =	strace s1  }
0x92: {  	s1 =	sld [smem:$0x3FFD];
	_ =	sdelay $0x3  }
0x93: {  	_ =	strace s1  }
0x94: {  	_ =	strace $0x8FFFFFFF  }
0x95: {  	s17 =	sld [smem:$0x3FDB];
	_ =	sdelay $0x1  }
0x96: {  	s2 =	simm.s32 $_scs_section_size  }
0x97: {  	s3 =	simm.s32 $_size__tile_overlayer_lowered;
	s4 =	simm.s32 $_tile_overlayer_lowered  }
0x98: {  	s20 =	simm.s32 $0x1BFF;
	s19 =	sshll.u32 s4, $0x1;
	s1 =	sadd.s32 s2, s17  }
0x99: {  	s5 =	simm.s32 $0x0;
	s18 =	sshll.u32 s3, $0x1;
	s3 =	sadd.s32 s19, s1  }
0x9a: {  	[timem:s5], [sflag:s20] =	dma.local [hbm:s3], s18  }
0x9b: {  	_ =	swait.ge [sflag:s20], s18  }
0x9c: {  	s2 =	ssub.s32 $0x0, s18;
	[sflag:s20] =	ssyncset.done $0x0  }
0x9d: {  	[sflag:s20] =	ssyncadd.s32 s2;
	_ =	sdelay $0x1  }
0x9e: {  	s21 =	simm.s32 $0x1B8B  }
0x9f: {  	_ =	swait.ge [sflag:s21], $0x1  }
0xa0: {  	[sflag:s21] =	ssyncset.done $0x0  }
0xa1: {  	s23 =	simm.s32 $0x1B8E;
	s22 =	sld [smem:$0x3FFE];
	[sflag:s21] =	ssyncadd.s32 $0xFFFFFFFF  }
0xa2: {  	s24 =	simm.s32 $execute0_lowered;
	[smem:$0x3FD2] =	sst s23  }
0xa3: {  	s3 =	sshll.u32 s24, $0x1;
	_ =	strace $0x80000046;
	[dreg:$0x1] =	wrdreg $0xFFFFFFFF  }
0xa4: {  	s25 =	simm.s32 $_size_execute0_lowered;
	s1 =	sadd.s32 s1, s3;
	[dreg:$0x0] =	wrdreg $0x0  }
0xa5: {  	s3 =	sshll.u32 s25, $0x1;
	[dreg:$0x2] =	wrdreg s1  }
0xa6: {  	[dreg:$0x3] =	wrdreg s3  }
0xa7: {  	[dreg:$0x4] =	wrdreg $0xC0  }
0xa8: {  	_ =	task [dreg:s5], $0x5FFFF  }
0xa9: {  	[dreg:$0x1] =	wrdreg $0xFFFFFFFF  }
0xaa: {  	[dreg:$0x0] =	wrdreg $0x60  }
0xab: {  	[dreg:$0x2] =	wrdreg s0  }
0xac: {  	[dreg:$0x3] =	wrdreg s22  }
0xad: {  	[dreg:$0x4] =	wrdreg $0x6C800  }
0xae: {  	[dreg:$0x5] =	wrdreg $0x9  }
0xaf: {  	_ =	task.clear_ibuf [dreg:s5], $0x6FFFF;
	_ =	strace $0x90000046  }
0xb0: {  	s26 =	simm.s32 $0x9;
	_ =	strace $0x80000048  }
0xb1: {  	_ =	swait.ge [sflag:s26], $0x1  }
0xb2: {  	[sflag:s26] =	ssyncadd.s32 $0xFFFFFFFF  }
0xb3: {  	_ =	strace $0x90000048  }
0xb4: {  	_ =	sfence  }
0xb5: {  	s28 =	sld [smem:$0x0];
	_ =	sdelay $0x1  }
0xb6: {  	s29 =	srdreg.scid  }
0xb7: {  	s30 =	sshll.u32 s29, $0xD;
	s31 =	sshrl.u32 s29, $0x2  }
0xb8: {  	s2 =	sand.u32 $0x4000, s30;
	s1 =	sand.u32 $0x1, s29;
	s0 =	sadd.s32 s31, s28  }
0xb9: {  	s1 =	sor.u32 s2, s1;
	s0 =	sshll.u32 s0, $0x11  }
0xba: {  	s0 =	sor.u32 s0, s1  }
0xbb: {  	s0 =	sadd.s32 $0x8F2B, s0  }
0xbc: {  	[sflag:s0] =	ssyncadd.remote.s32 $0x1  }
0xbd: {  	_ =	sfence.sel $0xFFFF  }
0xbe: {  	[dreg:$0x0] =	wrdreg $0xFFFFFFFF;
	(pc) =	sbr.abs _section_cstart, $3  }
0xbf: {  	[dreg:$0x1] =	wrdreg $0xFFFFFFFF  }
0xc0: {  	_ =	task.clear_ibuf [dreg:s5], $0x2FFFF;
	_ =	strace $0x9FFFFFFF  }
0xc1: {  	(tm) =	ssettm $0x7FFFFFFF  }
tec
execute0_lowered:
.L_overlay_start_1:
0x0: {  	(tag) =	ssettag $0x1  }
0x1: {  	s3 =	rddreg [dreg:$0x0]  }
0x2: {  	s5 =	rddreg [dreg:$0x1]  }
0x3: {  	s4 =	rddreg [dreg:$0x2];
	s1 =	stileid.u32  }
0x4: {  	s0 =	rddreg [dreg:$0x3];
	s6 =	simm.s32 $0x0;
	s2 =	smul.u32 $0x640, s1  }
0x5: {  	[smem:$0x7FF] =	sst s6  }
0x6: {  	s29 =	simm.s32 $0x2;
	_ =	strace $0x80000047;
	s3 =	sadd.s32 s3, s2  }
0x7: {  	[tilespmem:s6], [sflag:$0x2] =	stream.linear.gather [hbm4b:s3+s6], $0x3200, $0x38;
	[tilespmem:$0x6C90] =	vst v63  }
0x8: {  	_ =	swait.ge [sflag:s29], $0x3200  }
0x9: {  	s30 =	simm.s32 $0x3200;
	s7 =	sadd.s32 s2, s5;
	[sflag:s29] =	ssyncset.done $0x0  }
0xa: {  	s31 =	simm.s32 $0x0;
	s7 =	sadd.s32 $0x600, s7;
	[sflag:s29] =	ssyncadd.s32 $0xFFFFCE00  }
0xb: {  	[tilespmem:s30], [sflag:$0x1] =	stream.linear.gather [hbm4b:s7+s6], $0x3200, $0x38;
	[tilespmem:$0x6C90] =	vst v63  }
0xc: {  	v1 =	vld [tilespmem:s31+$0x0]  }
0xd: {  	v0 =	vimm.f32 $0.0e+00;
	s3 =	sadd.s32 $0x6A00, s5;
	s5 =	simm.s32 $0x40  }
.LBB2_1:
0xe: {  	p0 =	sne.s32 s5, $0xC7C0  }
.Ltmp0:
0xf: {  	_ = 	snop;
	(pc) =	sbr.rel @p0 .LBB2_1-.Ltmp0, $4  }
0x10: {  	_ = 	snop  }
0x11: {  	s6 =	sshra.s32 s5, $0x2;
	s5 =	sadd.s32 $0x40, s5;
	v2 =	vmul.f32 v1, v1  }
0x12: {  	v1 =	vld [tilespmem:s6+$0x0]  }
0x13: {  	v0 =	vadd.f32 v2, v0  }
0x14: {  	_ =	sdelay $0x2  }
0x15: {  	v1 =	vmul.f32 v1, v1;
	_ =	sdelay $0x1  }
0x16: {  	v0 =	vadd.f32 v1, v0  }
0x17: {  	s5 =	sshll.u32 s1, $0x7  }
0x18: {  	s6 =	simm.s32 $0x6400;
	s29 =	simm.s32 $0x2;
	s5 =	sadd.s32 s5, s4;
	[tilespmem:$0x6400] =	vst v0  }
0x19: {  	[spmem:s5] =	stream.linear.scatter [tilespmem:s6], [sflag:$0x2], $0x80, $0x38;
	[tilespmem:$0x6C90] =	vst v63  }
0x1a: {  	_ =	swait.ge [sflag:s29], $0x80  }
0x1b: {  	[sflag:s29] =	ssyncset.done $0x0  }
0x1c: {  	[sflag:s29] =	ssyncadd.s32 $0xFFFFFF80  }
0x1d: {  	s30 =	simm.s32 $0x6480;
	[bflag:$0x0] =	sbarrier.arrive $0xFFFF  }
0x1e: {  	[tilespmem:s30], [sflag:$0x2] =	stream.linear.gather [spmem:s4], $0x800, $0x38;
	[tilespmem:$0x6C90] =	vst v63  }
0x1f: {  	_ =	swait.ge [sflag:s29], $0x800  }
0x20: {  	[sflag:s29] =	ssyncset.done $0x0  }
0x21: {  	[sflag:s29] =	ssyncadd.s32 $0xFFFFF800  }
0x22: {  	v0 =	vld [tilespmem:$0x6480]  }
0x23: {  	v1 =	vld [tilespmem:$0x6500];
	_ =	sdelay $0x1  }
0x24: {  	v2 =	vld [tilespmem:$0x6580];
	_ =	sdelay $0x1  }
0x25: {  	v3 =	vld [tilespmem:$0x6600]  }
0x26: {  	v0 =	vadd.f32 v1, v0  }
0x27: {  	v1 =	vld [tilespmem:$0x6680]  }
0x28: {  	v0 =	vadd.f32 v2, v0  }
0x29: {  	v2 =	vld [tilespmem:$0x6700]  }
0x2a: {  	v0 =	vadd.f32 v3, v0  }
0x2b: {  	v3 =	vld [tilespmem:$0x6780]  }
0x2c: {  	v0 =	vadd.f32 v1, v0  }
0x2d: {  	v1 =	vld [tilespmem:$0x6800]  }
0x2e: {  	v0 =	vadd.f32 v2, v0  }
0x2f: {  	v2 =	vld [tilespmem:$0x6880]  }
0x30: {  	v0 =	vadd.f32 v3, v0  }
0x31: {  	v3 =	vld [tilespmem:$0x6900]  }
0x32: {  	v0 =	vadd.f32 v1, v0  }
0x33: {  	v1 =	vld [tilespmem:$0x6980]  }
0x34: {  	v0 =	vadd.f32 v2, v0  }
0x35: {  	v2 =	vld [tilespmem:$0x6A00]  }
0x36: {  	v0 =	vadd.f32 v3, v0  }
0x37: {  	v3 =	vld [tilespmem:$0x6A80]  }
0x38: {  	v0 =	vadd.f32 v1, v0  }
0x39: {  	v1 =	vld [tilespmem:$0x6B00]  }
0x3a: {  	v0 =	vadd.f32 v2, v0  }
0x3b: {  	v2 =	vld [tilespmem:$0x6B80]  }
0x3c: {  	v0 =	vadd.f32 v3, v0  }
0x3d: {  	v4 =	vimm.s32 $0xFEDCBA98;
	v3 =	vld [tilespmem:$0x6C00]  }
0x3e: {  	v4 =	vunpack.c.l.s4.s8 v4;
	v0 =	vadd.f32 v1, v0;
	v1 =	vimm.s32 $0x76543210  }
0x3f: {  	v1 =	vunpack.c.l.s4.s8 v1  }
0x40: {  	v0 =	vadd.f32 v2, v0;
	v2 =	vunpack.c.0.s8.s32 v4  }
0x41: {  	v1 =	vunpack.c.0.s8.s32 v1  }
0x42: {  	v0 =	vadd.f32 v3, v0;
	v2 =	vand.u32 $0xF, v2  }
0x43: {  	v3 =	vimm.s32 $0x32107654;
	v1 =	vcombine.low v2, v1;
	v2 =	vimm.s32 $0xBA98FEDC  }
0x44: {  	v3 =	vunpack.c.l.s4.s8 v3;
	v2 =	vunpack.c.l.s4.s8 v2  }
0x45: {  	v1 =	vperm.xlane v0, v1  }
0x46: {  	v3 =	vunpack.c.0.s8.s32 v3;
	v2 =	vunpack.c.0.s8.s32 v2  }
0x47: {  	v0 =	vadd.f32 v1, v0  }
0x48: {  	v1 =	vcombine.low v3, v2;
	v2 =	vimm.s32 $0xDCFE98BA;
	v3 =	vimm.s32 $0x54761032  }
0x49: {  	v2 =	vunpack.c.l.s4.s8 v2;
	v3 =	vunpack.c.l.s4.s8 v3  }
0x4a: {  	v1 =	vperm.xlane v0, v1  }
0x4b: {  	v2 =	vunpack.c.0.s8.s32 v2;
	v3 =	vunpack.c.0.s8.s32 v3  }
0x4c: {  	v63 =	vimm.s32 $0x67452301;
	v0 =	vadd.f32 v1, v0;
	v1 =	vimm.s32 $0xEFCDAB89  }
0x4d: {  	v2 =	vcombine.low v3, v2;
	v1 =	vunpack.c.l.s4.s8 v1;
	v3 =	vunpack.c.l.s4.s8 v63;
	_ =	sdelay $0x1  }
0x4e: {  	v2 =	vperm.xlane v0, v2;
	v1 =	vunpack.c.0.s8.s32 v1;
	v3 =	vunpack.c.0.s8.s32 v3;
	_ =	sdelay $0x1  }
0x4f: {  	v0 =	vadd.f32 v2, v0;
	v1 =	vcombine.low v3, v1;
	_ =	sdelay $0x1  }
0x50: {  	v1 =	vperm.xlane v0, v1;
	_ =	sdelay $0x1  }
0x51: {  	v0 =	vadd.f32 v1, v0;
	_ =	sdelay $0x1  }
0x52: {  	v1 =	vshrl.u32 v0, $0x1  }
0x53: {  	v1 =	vsub.s32 $0x5F3759DF, v1  }
0x54: {  	v2 =	vmul.f32 v1, v0;
	_ =	sdelay $0x1  }
0x55: {  	v2 =	vmul.f32 $5.000000000e-01, v2;
	_ =	sdelay $0x1  }
0x56: {  	v2 =	vmul.f32 v1, v2;
	_ =	sdelay $0x1  }
0x57: {  	v2 =	vsub.f32 $1.500000000e+00, v2;
	_ =	sdelay $0x1  }
0x58: {  	v1 =	vmul.f32 v1, v2;
	_ =	sdelay $0x1  }
0x59: {  	v2 =	vmul.f32 v1, v0;
	_ =	sdelay $0x1  }
0x5a: {  	v2 =	vmul.f32 $5.000000000e-01, v2;
	_ =	sdelay $0x1  }
0x5b: {  	v2 =	vmul.f32 v2, v1;
	_ =	sdelay $0x1  }
0x5c: {  	v2 =	vsub.f32 $1.500000000e+00, v2;
	_ =	sdelay $0x1  }
0x5d: {  	v1 =	vmul.f32 v2, v1;
	_ =	sdelay $0x1  }
0x5e: {  	v2 =	vmul.f32 v1, v0;
	_ =	sdelay $0x1  }
0x5f: {  	v2 =	vmul.f32 $5.000000000e-01, v2;
	_ =	sdelay $0x1  }
0x60: {  	v2 =	vmul.f32 v2, v1;
	_ =	sdelay $0x1  }
0x61: {  	v2 =	vsub.f32 $1.500000000e+00, v2;
	_ =	sdelay $0x1  }
0x62: {  	v1 =	vmul.f32 v2, v1;
	_ =	sdelay $0x1  }
0x63: {  	v0 =	vmul.f32 v1, v0;
	_ =	sdelay $0x1  }
0x64: {  	v0 =	vmul.f32 $5.000000000e-01, v0;
	_ =	sdelay $0x1  }
0x65: {  	v0 =	vmul.f32 v0, v1;
	_ =	sdelay $0x1  }
0x66: {  	v0 =	vsub.f32 $1.500000000e+00, v0;
	_ =	sdelay $0x1  }
0x67: {  	v0 =	vmul.f32 v0, v1  }
0x68: {  	s31 =	simm.s32 $0x1  }
0x69: {  	_ =	swait.ge [sflag:s31], $0x3200;
	v0 =	vmul.f32 $9.999999770e-03, v0  }
0x6a: {  	[sflag:s31] =	ssyncset.done $0x0  }
0x6b: {  	s5 =	simm.s32 $0x40;
	s4 =	simm.s32 $0x0;
	[sflag:s31] =	ssyncadd.s32 $0xFFFFCE00;
	v0 =	vmin.f32 v0, $1.000000000e+00  }
.LBB2_3:
0x6c: {  	p0 =	sne.s32 s5, $0xC7C0;
	v1 =	vld [tilespmem:s4+$0x0];
	_ =	sdelay $0x1  }
0x6d: {  	v2 =	vld [tilespmem:s4+$0x3200];
	_ =	sdelay $0x2  }
.Ltmp1:
0x6e: {  	v1 =	vmul.f32 v1, v0;
	(pc) =	sbr.rel @p0 .LBB2_3-.Ltmp1, $3  }
0x6f: {  	_ = 	snop  }
0x70: {  	v1 =	vadd.f32 v2, v1;
	_ =	sdelay $0x1  }
0x71: {  	[tilespmem:s4+$0x0] =	vst v1;
	s4 =	sshra.s32 s5, $0x2;
	s5 =	sadd.s32 $0x40, s5  }
0x72: {  	v1 =	vld [tilespmem:s4+$0x0];
	_ =	sdelay $0x1  }
0x73: {  	v2 =	vld [tilespmem:s4+$0x3200];
	_ =	sdelay $0x2  }
0x74: {  	v0 =	vmul.f32 v1, v0;
	_ =	sdelay $0x1  }
0x75: {  	v0 =	vadd.f32 v2, v0;
	_ =	sdelay $0x1  }
0x76: {  	s2 =	sadd.s32 s3, s2;
	s30 =	simm.s32 $0x0;
	s31 =	simm.s32 $0x2;
	[tilespmem:s4+$0x0] =	vst v0  }
0x77: {  	[hbm4b:s2+s30] =	stream.linear.scatter [tilespmem:s30], [sflag:$0x2], $0x3200, $0x38;
	[tilespmem:$0x6C90] =	vst v63  }
0x78: {  	_ =	swait.ge [sflag:s31], $0x3200  }
0x79: {  	[sflag:s31] =	ssyncset.done $0x0  }
0x7a: {  	[sflag:s31] =	ssyncadd.s32 $0xFFFFCE00  }
0x7b: {  	_ =	sfence.sel $0x180000  }
0x7c: {  	[bflag:$0x0] =	sbarrier.arrive $0xFFFF  }
0x7d: {  	p0 =	sne.s32 s1, $0x0;
	_ =	strace $0x90000047  }
0x7e: {  	s0 =	sadd.s32 @!p0 $0x100000, s0;
	[bflag:$0x2] =	sbarrier.arrive $0xFFFF  }
0x7f: {  	[sflag:s0] =	ssyncadd.tile.s32 @!p0 $0x1;
	_ =	shalt  }
.Lfunc_end2:
_tile_overlayer_lowered:
.L_overlay_start_2:
0x80: {  	(tag) =	ssettag $0x2  }
0x81: {  	s0 =	rddreg [dreg:$0x0];
	s2 =	stileid.u32  }
0x82: {  	s1 =	rddreg [dreg:$0x1];
	p0 =	sne.s32 s2, $0x0  }
0x83: {  	s3 =	rddreg [dreg:$0x2];
	[bflag:$0x3] =	sbarrier.arrive $0xFFFF;
	s2 =	simm.s32 @!p0 $0x1C02  }
0x84: {  	[timem:s3], [sflag:s2] =	dma.local @!p0 [hbm:s0], s1  }
0x85: {  	s0 =	simm.s32 @!p0 $0x2  }
0x86: {  	_ =	swait.ge @!p0 [sflag:s0], s1  }
0x87: {  	s1 =	ssub.s32 @!p0 $0x0, s1;
	[sflag:s0] =	ssyncset.done @!p0 $0x0  }
0x88: {  	[sflag:s0] =	ssyncadd.s32 @!p0 s1  }
0x89: {  	[bflag:$0x3] =	sbarrier.arrive $0xFFFF  }
0x8a: {  	_ =	shalt  }

</sc_bundles>
